<compile_context>
chip_gen: v7x
topology: tpu7x:2x2x1
jax: 0.10.2.dev20260603
libtpu: 0.0.44.dev20260713+nightly
codegen_flags: <defaults>
</compile_context>

<pallas_src>
import functools
import jax
import jax.numpy as jnp
from jax import lax
from jax.experimental import pallas as pl
from jax.experimental.pallas import tpu as pltpu
from jax.experimental.pallas import tpu_sc as plsc


def _sigmoid(x):
    return 0.5 * jnp.tanh(0.5 * x) + 0.5


def _tc_body(xyz_ref, rgb_ref, xyz_out, rgb_out):
    xyz_out[...] = xyz_ref[...]
    rgb_out[...] = _sigmoid(rgb_ref[...])


NW = 32
CHUNK = 16000
NCHUNK = 125


def _sc_body(opa_hbm, scl_hbm, opa_out, scl_out, buf_a, buf_b, sem_a, sem_b):
    w = lax.axis_index("s") * 2 + lax.axis_index("c")

    def process(chunk_id, in_hbm, out_hbm, buf, sem):
        base = chunk_id * CHUNK
        pltpu.async_copy(in_hbm.at[0, pl.ds(base, CHUNK)], buf, sem).wait()

        @plsc.parallel_loop(0, CHUNK, step=16, unroll=8)
        def _(j):
            x = buf[pl.ds(j, 16)]
            buf[pl.ds(j, 16)] = 1.0 / (1.0 + jnp.exp(-x))

        pltpu.async_copy(buf, out_hbm.at[0, pl.ds(base, CHUNK)], sem).wait()

    def process_exp(chunk_id, in_hbm, out_hbm, buf, sem):
        base = chunk_id * CHUNK
        pltpu.async_copy(in_hbm.at[0, pl.ds(base, CHUNK)], buf, sem).wait()

        @plsc.parallel_loop(0, CHUNK, step=16, unroll=8)
        def _(j):
            x = buf[pl.ds(j, 16)]
            buf[pl.ds(j, 16)] = jnp.exp(x)

        pltpu.async_copy(buf, out_hbm.at[0, pl.ds(base, CHUNK)], sem).wait()

    def loop(i, _):
        chunk = w + NW * i

        @pl.when(chunk < NCHUNK)
        def _():
            process(chunk, opa_hbm, opa_out, buf_a, sem_a)
            process_exp(chunk, scl_hbm, scl_out, buf_b, sem_b)

        return 0

    lax.fori_loop(0, (NCHUNK + NW - 1) // NW, loop, 0)


def kernel(xyz_raw, rgb_raw, opacity_raw, scale_raw):
    n = rgb_raw.shape[0]
    xyzT = xyz_raw.T
    rgbT = rgb_raw.T
    opaT = opacity_raw.T
    sclT = scale_raw.T

    C = 262144
    grid = (pl.cdiv(n, C),)
    s3 = pl.BlockSpec((3, C), lambda i: (0, i))
    xyz_o, rgb_o = pl.pallas_call(
        _tc_body,
        grid=grid,
        in_specs=[s3, s3],
        out_specs=[s3, s3],
        out_shape=[
            jax.ShapeDtypeStruct((3, n), jnp.float32),
            jax.ShapeDtypeStruct((3, n), jnp.float32),
        ],
        compiler_params=pltpu.CompilerParams(
            dimension_semantics=("arbitrary",),
        ),
    )(xyzT, rgbT)

    mesh = plsc.VectorSubcoreMesh(core_axis_name="c", subcore_axis_name="s")
    sc_fn = functools.partial(
        pl.kernel,
        out_type=[
            jax.ShapeDtypeStruct((1, n), jnp.float32),
            jax.ShapeDtypeStruct((1, n), jnp.float32),
        ],
        mesh=mesh,
        scratch_types=[
            pltpu.VMEM((CHUNK,), jnp.float32),
            pltpu.VMEM((CHUNK,), jnp.float32),
            pltpu.SemaphoreType.DMA,
            pltpu.SemaphoreType.DMA,
        ],
    )(_sc_body)
    opa_o, scl_o = sc_fn(opaT, sclT)

    return (xyz_o.T, rgb_o.T, opa_o.T, scl_o.T)

# --- scband reference (transcript-rebuilt; emitter-appended) ---
"""Pipeline reference for scband-gaussian-points-6536940224742 (READ-ONLY COPY).

The authoritative reference and input builder live on the scoring server;
editing this copy changes nothing except your own understanding.
"""

import jax, jax.numpy as jnp
import numpy as np

N = 2_000_000
INIT_SCALE = 70.0

def setup_inputs(seed: int = 0) -> dict:
    key = jax.random.key(seed)
    k1 = jax.random.fold_in(key, 1)
    xyz_raw = (jax.random.uniform(k1, (N, 3), dtype=jnp.float32) * 2.0 - 1.0) * INIT_SCALE
    rgb_raw = jnp.zeros((N, 3), dtype=jnp.float32)
    opacity_raw = jnp.zeros((N, 1), dtype=jnp.float32)
    scale_raw = jnp.ones((N, 1), dtype=jnp.float32) * 1.1
    return {"xyz_raw": xyz_raw, "rgb_raw": rgb_raw, "opacity_raw": opacity_raw, "scale_raw": scale_raw}

def reference(xyz_raw, rgb_raw, opacity_raw, scale_raw):
    # Faithful translation of GaussianPoints.get_point_data():
    #   xyz: raw positions (no activation)
    #   rgb: sigmoid -> [0, 1]
    #   opacity: sigmoid -> [0, 1]
    #   scale: exp -> positive
    xyz = xyz_raw
    rgb = jax.nn.sigmoid(rgb_raw)
    opacity = jax.nn.sigmoid(opacity_raw)
    scale = jnp.exp(scale_raw)
    return (xyz, rgb, opacity, scale)

if __name__ == "__main__":
    import jax
    _d = setup_inputs()
    print(jax.jit(kernel)(*tuple(_d.values())))

</pallas_src>

<mosaic_0001>
#map = affine_map<(d0, d1) -> (0, 0)>
module attributes {stable_mosaic.version = 14 : i64} {
  func.func @_sc_body(%arg0: i32, %arg1: i32, %arg2: memref<1x2000000xf32, #tpu.memory_space<hbm>>, %arg3: memref<1x2000000xf32, #tpu.memory_space<hbm>>, %arg4: memref<1x2000000xf32, #tpu.memory_space<hbm>>, %arg5: memref<1x2000000xf32, #tpu.memory_space<hbm>>, %arg6: memref<16000xf32, #tpu.memory_space<vmem>>, %arg7: memref<16000xf32, #tpu.memory_space<vmem>>, %arg8: memref<!tpu.dma_semaphore, #tpu.memory_space<semaphore_mem>>, %arg9: memref<!tpu.dma_semaphore, #tpu.memory_space<semaphore_mem>>) attributes {dimension_semantics = [#tpu.dimension_semantics<core_parallel>, #tpu.dimension_semantics<subcore_parallel>], iteration_bounds = array<i64: 2, 16>, scalar_prefetch = 0 : i64, scratch_operands = 4 : i64, tpu.core_type = #tpu.core_type<sc_vector_subcore>, window_params = [{transform_indices = #map}, {transform_indices = #map}, {transform_indices = #map}, {transform_indices = #map}]} {
    %mul3A = arith.constant 2 : i32
    %mul3A_0 = arith.muli %arg1, %mul3A : i32
    %add3A = arith.addi %mul3A_0, %arg0 : i32
    %scan3A = arith.constant 0 : i32
    %scan3A_1 = arith.constant 0 : i32
    %scan3A_2 = arith.constant 4 : i32
    %scan3A_3 = arith.addi %scan3A_1, %scan3A_2 : i32
    %scan3A_4 = arith.constant 1 : i32
    %scan3A_5 = scf.for %scan3A_7 = %scan3A_1 to %scan3A_3 step %scan3A_4 iter_args(%scan3A_8 = %scan3A) -> (i32)  : i32 {
      %mul3A_9 = arith.constant 32 : i32
      %mul3A_10 = arith.muli %mul3A_9, %scan3A_7 : i32
      %add3A_11 = arith.addi %add3A, %mul3A_10 : i32
      %lt3A = arith.constant 125 : i32
      %lt3A_12 = arith.cmpi slt, %add3A_11, %lt3A : i32
      %convert_element_type3A = arith.extui %lt3A_12 : i1 to i32
      %cond3A = arith.constant 0 : i32
      %cond3A_13 = arith.cmpi ne, %convert_element_type3A, %cond3A : i32
      scf.if %cond3A_13 {
        %mul3A_15 = arith.constant 16000 : i32
        %mul3A_16 = arith.muli %add3A_11, %mul3A_15 : i32
        %dma_start3A = arith.constant 0 : i32
        %dma_start3A_17 = tpu.memref_slice %arg2[%dma_start3A, %mul3A_16] : memref<1x2000000xf32, #tpu.memory_space<hbm>> -> memref<1x16000xf32, #tpu.memory_space<hbm>>
        %dma_start3A_18 = tpu.memref_squeeze %dma_start3A_17 : memref<1x16000xf32, #tpu.memory_space<hbm>> -> memref<16000xf32, #tpu.memory_space<hbm>>
        %dma_start3A_19 = tpu.memref_slice %arg2[%dma_start3A, %mul3A_16] : memref<1x2000000xf32, #tpu.memory_space<hbm>> -> memref<1x16000xf32, #tpu.memory_space<hbm>>
        %dma_start3A_20 = tpu.memref_squeeze %dma_start3A_19 : memref<1x16000xf32, #tpu.memory_space<hbm>> -> memref<16000xf32, #tpu.memory_space<hbm>>
        tpu.enqueue_dma source(%dma_start3A_20 : memref<16000xf32, #tpu.memory_space<hbm>>) target(%arg6 : memref<16000xf32, #tpu.memory_space<vmem>>) target_semaphore(%arg8 : memref<!tpu.dma_semaphore, #tpu.memory_space<semaphore_mem>>)
        %dma_wait3A = arith.constant 0 : i32
        %dma_wait3A_21 = tpu.memref_slice %arg2[%dma_wait3A, %mul3A_16] : memref<1x2000000xf32, #tpu.memory_space<hbm>> -> memref<1x16000xf32, #tpu.memory_space<hbm>>
        %dma_wait3A_22 = tpu.memref_squeeze %dma_wait3A_21 : memref<1x16000xf32, #tpu.memory_space<hbm>> -> memref<16000xf32, #tpu.memory_space<hbm>>
        %dma_wait3A_23 = tpu.memref_slice %arg2[%dma_wait3A, %mul3A_16] : memref<1x2000000xf32, #tpu.memory_space<hbm>> -> memref<1x16000xf32, #tpu.memory_space<hbm>>
        %dma_wait3A_24 = tpu.memref_squeeze %dma_wait3A_23 : memref<1x16000xf32, #tpu.memory_space<hbm>> -> memref<16000xf32, #tpu.memory_space<hbm>>
        tpu.wait_dma2 semaphore(%arg8 : memref<!tpu.dma_semaphore, #tpu.memory_space<semaphore_mem>>) src(%dma_wait3A_24 : memref<16000xf32, #tpu.memory_space<hbm>>) dst(%arg6 : memref<16000xf32, #tpu.memory_space<vmem>>)
        %parallel_loop3A = arith.constant 0 : i32
        %parallel_loop3A_25 = arith.constant 16000 : i32
        %parallel_loop3A_26 = arith.constant 16 : i32
        scf.for %parallel_loop3A_62 = %parallel_loop3A to %parallel_loop3A_25 step %parallel_loop3A_26  : i32 {
          %parallel_loop3A_63 = arith.index_cast %parallel_loop3A_62 : i32 to index
          %parallel_loop3A_64 = tpu.vector_load %arg6[%parallel_loop3A_63] {strides = array<i32>} : memref<16000xf32, #tpu.memory_space<vmem>>, vector<16xf32>,
          %parallel_loop3A_65 = vector.shape_cast %parallel_loop3A_64 : vector<16xf32> to vector<16xf32>
          %parallel_loop3A_66 = arith.constant 0.000000e+00 : f32
          %parallel_loop3A_67 = vector.broadcast %parallel_loop3A_66 : f32 to vector<16xf32>
          %parallel_loop3A_68 = arith.subf %parallel_loop3A_67, %parallel_loop3A_65 : vector<16xf32>
          %parallel_loop3A_69 = math.exp %parallel_loop3A_68 : vector<16xf32>
          %parallel_loop3A_70 = arith.constant 1.000000e+00 : f32
          %parallel_loop3A_71 = vector.broadcast %parallel_loop3A_70 : f32 to vector<16xf32>
          %parallel_loop3A_72 = arith.addf %parallel_loop3A_71, %parallel_loop3A_69 : vector<16xf32>
          %parallel_loop3A_73 = arith.constant 1.000000e+00 : f32
          %parallel_loop3A_74 = vector.broadcast %parallel_loop3A_73 : f32 to vector<16xf32>
          %parallel_loop3A_75 = arith.divf %parallel_loop3A_74, %parallel_loop3A_72 : vector<16xf32>
          %parallel_loop3A_76 = arith.index_cast %parallel_loop3A_62 : i32 to index
          %parallel_loop3A_77 = tpu.vector_load %arg6[%parallel_loop3A_76] {strides = array<i32>} : memref<16000xf32, #tpu.memory_space<vmem>>, vector<16xf32>,
          %parallel_loop3A_78 = vector.shape_cast %parallel_loop3A_77 : vector<16xf32> to vector<16xf32>
          %parallel_loop3A_79 = vector.shape_cast %parallel_loop3A_75 : vector<16xf32> to vector<16xf32>
          tpu.vector_store %arg6[%parallel_loop3A_76], %parallel_loop3A_79 {strides = array<i32>} : memref<16000xf32, #tpu.memory_space<vmem>>, vector<16xf32>,
        } {sc.loop_unroll_factor = 8 : i64, sc.parallel_access}
        %dma_start3A_27 = arith.constant 0 : i32
        %dma_start3A_28 = tpu.memref_slice %arg4[%dma_start3A_27, %mul3A_16] : memref<1x2000000xf32, #tpu.memory_space<hbm>> -> memref<1x16000xf32, #tpu.memory_space<hbm>>
        %dma_start3A_29 = tpu.memref_squeeze %dma_start3A_28 : memref<1x16000xf32, #tpu.memory_space<hbm>> -> memref<16000xf32, #tpu.memory_space<hbm>>
        %dma_start3A_30 = tpu.memref_slice %arg4[%dma_start3A_27, %mul3A_16] : memref<1x2000000xf32, #tpu.memory_space<hbm>> -> memref<1x16000xf32, #tpu.memory_space<hbm>>
        %dma_start3A_31 = tpu.memref_squeeze %dma_start3A_30 : memref<1x16000xf32, #tpu.memory_space<hbm>> -> memref<16000xf32, #tpu.memory_space<hbm>>
        tpu.enqueue_dma source(%arg6 : memref<16000xf32, #tpu.memory_space<vmem>>) target(%dma_start3A_31 : memref<16000xf32, #tpu.memory_space<hbm>>) target_semaphore(%arg8 : memref<!tpu.dma_semaphore, #tpu.memory_space<semaphore_mem>>)
        %dma_wait3A_32 = arith.constant 0 : i32
        %dma_wait3A_33 = tpu.memref_slice %arg4[%dma_wait3A_32, %mul3A_16] : memref<1x2000000xf32, #tpu.memory_space<hbm>> -> memref<1x16000xf32, #tpu.memory_space<hbm>>
        %dma_wait3A_34 = tpu.memref_squeeze %dma_wait3A_33 : memref<1x16000xf32, #tpu.memory_space<hbm>> -> memref<16000xf32, #tpu.memory_space<hbm>>
        %dma_wait3A_35 = tpu.memref_slice %arg4[%dma_wait3A_32, %mul3A_16] : memref<1x2000000xf32, #tpu.memory_space<hbm>> -> memref<1x16000xf32, #tpu.memory_space<hbm>>
        %dma_wait3A_36 = tpu.memref_squeeze %dma_wait3A_35 : memref<1x16000xf32, #tpu.memory_space<hbm>> -> memref<16000xf32, #tpu.memory_space<hbm>>
        tpu.wait_dma2 semaphore(%arg8 : memref<!tpu.dma_semaphore, #tpu.memory_space<semaphore_mem>>) src(%arg6 : memref<16000xf32, #tpu.memory_space<vmem>>) dst(%dma_wait3A_36 : memref<16000xf32, #tpu.memory_space<hbm>>)
        %mul3A_37 = arith.constant 16000 : i32
        %mul3A_38 = arith.muli %add3A_11, %mul3A_37 : i32
        %dma_start3A_39 = arith.constant 0 : i32
        %dma_start3A_40 = tpu.memref_slice %arg3[%dma_start3A_39, %mul3A_38] : memref<1x2000000xf32, #tpu.memory_space<hbm>> -> memref<1x16000xf32, #tpu.memory_space<hbm>>
        %dma_start3A_41 = tpu.memref_squeeze %dma_start3A_40 : memref<1x16000xf32, #tpu.memory_space<hbm>> -> memref<16000xf32, #tpu.memory_space<hbm>>
        %dma_start3A_42 = tpu.memref_slice %arg3[%dma_start3A_39, %mul3A_38] : memref<1x2000000xf32, #tpu.memory_space<hbm>> -> memref<1x16000xf32, #tpu.memory_space<hbm>>
        %dma_start3A_43 = tpu.memref_squeeze %dma_start3A_42 : memref<1x16000xf32, #tpu.memory_space<hbm>> -> memref<16000xf32, #tpu.memory_space<hbm>>
        tpu.enqueue_dma source(%dma_start3A_43 : memref<16000xf32, #tpu.memory_space<hbm>>) target(%arg7 : memref<16000xf32, #tpu.memory_space<vmem>>) target_semaphore(%arg9 : memref<!tpu.dma_semaphore, #tpu.memory_space<semaphore_mem>>)
        %dma_wait3A_44 = arith.constant 0 : i32
        %dma_wait3A_45 = tpu.memref_slice %arg3[%dma_wait3A_44, %mul3A_38] : memref<1x2000000xf32, #tpu.memory_space<hbm>> -> memref<1x16000xf32, #tpu.memory_space<hbm>>
        %dma_wait3A_46 = tpu.memref_squeeze %dma_wait3A_45 : memref<1x16000xf32, #tpu.memory_space<hbm>> -> memref<16000xf32, #tpu.memory_space<hbm>>
        %dma_wait3A_47 = tpu.memref_slice %arg3[%dma_wait3A_44, %mul3A_38] : memref<1x2000000xf32, #tpu.memory_space<hbm>> -> memref<1x16000xf32, #tpu.memory_space<hbm>>
        %dma_wait3A_48 = tpu.memref_squeeze %dma_wait3A_47 : memref<1x16000xf32, #tpu.memory_space<hbm>> -> memref<16000xf32, #tpu.memory_space<hbm>>
        tpu.wait_dma2 semaphore(%arg9 : memref<!tpu.dma_semaphore, #tpu.memory_space<semaphore_mem>>) src(%dma_wait3A_48 : memref<16000xf32, #tpu.memory_space<hbm>>) dst(%arg7 : memref<16000xf32, #tpu.memory_space<vmem>>)
        %parallel_loop3A_49 = arith.constant 0 : i32
        %parallel_loop3A_50 = arith.constant 16000 : i32
        %parallel_loop3A_51 = arith.constant 16 : i32
        scf.for %parallel_loop3A_62 = %parallel_loop3A_49 to %parallel_loop3A_50 step %parallel_loop3A_51  : i32 {
          %parallel_loop3A_63 = arith.index_cast %parallel_loop3A_62 : i32 to index
          %parallel_loop3A_64 = tpu.vector_load %arg7[%parallel_loop3A_63] {strides = array<i32>} : memref<16000xf32, #tpu.memory_space<vmem>>, vector<16xf32>,
          %parallel_loop3A_65 = vector.shape_cast %parallel_loop3A_64 : vector<16xf32> to vector<16xf32>
          %parallel_loop3A_66 = math.exp %parallel_loop3A_65 : vector<16xf32>
          %parallel_loop3A_67 = arith.index_cast %parallel_loop3A_62 : i32 to index
          %parallel_loop3A_68 = tpu.vector_load %arg7[%parallel_loop3A_67] {strides = array<i32>} : memref<16000xf32, #tpu.memory_space<vmem>>, vector<16xf32>,
          %parallel_loop3A_69 = vector.shape_cast %parallel_loop3A_68 : vector<16xf32> to vector<16xf32>
          %parallel_loop3A_70 = vector.shape_cast %parallel_loop3A_66 : vector<16xf32> to vector<16xf32>
          tpu.vector_store %arg7[%parallel_loop3A_67], %parallel_loop3A_70 {strides = array<i32>} : memref<16000xf32, #tpu.memory_space<vmem>>, vector<16xf32>,
        } {sc.loop_unroll_factor = 8 : i64, sc.parallel_access}
        %dma_start3A_52 = arith.constant 0 : i32
        %dma_start3A_53 = tpu.memref_slice %arg5[%dma_start3A_52, %mul3A_38] : memref<1x2000000xf32, #tpu.memory_space<hbm>> -> memref<1x16000xf32, #tpu.memory_space<hbm>>
        %dma_start3A_54 = tpu.memref_squeeze %dma_start3A_53 : memref<1x16000xf32, #tpu.memory_space<hbm>> -> memref<16000xf32, #tpu.memory_space<hbm>>
        %dma_start3A_55 = tpu.memref_slice %arg5[%dma_start3A_52, %mul3A_38] : memref<1x2000000xf32, #tpu.memory_space<hbm>> -> memref<1x16000xf32, #tpu.memory_space<hbm>>
        %dma_start3A_56 = tpu.memref_squeeze %dma_start3A_55 : memref<1x16000xf32, #tpu.memory_space<hbm>> -> memref<16000xf32, #tpu.memory_space<hbm>>
        tpu.enqueue_dma source(%arg7 : memref<16000xf32, #tpu.memory_space<vmem>>) target(%dma_start3A_56 : memref<16000xf32, #tpu.memory_space<hbm>>) target_semaphore(%arg9 : memref<!tpu.dma_semaphore, #tpu.memory_space<semaphore_mem>>)
        %dma_wait3A_57 = arith.constant 0 : i32
        %dma_wait3A_58 = tpu.memref_slice %arg5[%dma_wait3A_57, %mul3A_38] : memref<1x2000000xf32, #tpu.memory_space<hbm>> -> memref<1x16000xf32, #tpu.memory_space<hbm>>
        %dma_wait3A_59 = tpu.memref_squeeze %dma_wait3A_58 : memref<1x16000xf32, #tpu.memory_space<hbm>> -> memref<16000xf32, #tpu.memory_space<hbm>>
        %dma_wait3A_60 = tpu.memref_slice %arg5[%dma_wait3A_57, %mul3A_38] : memref<1x2000000xf32, #tpu.memory_space<hbm>> -> memref<1x16000xf32, #tpu.memory_space<hbm>>
        %dma_wait3A_61 = tpu.memref_squeeze %dma_wait3A_60 : memref<1x16000xf32, #tpu.memory_space<hbm>> -> memref<16000xf32, #tpu.memory_space<hbm>>
        tpu.wait_dma2 semaphore(%arg9 : memref<!tpu.dma_semaphore, #tpu.memory_space<semaphore_mem>>) src(%arg7 : memref<16000xf32, #tpu.memory_space<vmem>>) dst(%dma_wait3A_61 : memref<16000xf32, #tpu.memory_space<hbm>>)
      } else {
      }
      %scan3A_14 = arith.constant 0 : i32
      scf.yield %scan3A_14 : i32
    }
    %scan3A_6 = arith.constant 4 : i32
    return
  }
}

module attributes {stable_mosaic.version = 14 : i64} {
  func.func @_tc_body(%arg0: i32, %arg1: memref<3x262144xf32, #tpu.memory_space<vmem>>, %arg2: memref<3x262144xf32, #tpu.memory_space<vmem>>, %arg3: memref<3x262144xf32, #tpu.memory_space<vmem>>, %arg4: memref<3x262144xf32, #tpu.memory_space<vmem>>) attributes {dimension_semantics = [#tpu.dimension_semantics<arbitrary>], iteration_bounds = array<i64: 8>, scalar_prefetch = 0 : i64, scratch_operands = 0 : i64, tpu.core_type = #tpu.core_type<tc>, window_params = [{transform_indices = @transform_0, window_bounds = array<i64: 3, 262144>}, {transform_indices = @transform_1, window_bounds = array<i64: 3, 262144>}, {transform_indices = @transform_2, window_bounds = array<i64: 3, 262144>}, {transform_indices = @transform_3, window_bounds = array<i64: 3, 262144>}]} {
    %get3A = arith.constant 0 : index
    %get3A_0 = arith.constant 0 : index
    %get3A_1 = vector.load %arg1[%get3A, %get3A_0] : memref<3x262144xf32, #tpu.memory_space<vmem>>, vector<3x262144xf32>
    %swap3A = arith.constant 0 : index
    %swap3A_2 = arith.constant 0 : index
    %swap3A_3 = vector.load %arg3[%swap3A, %swap3A_2] : memref<3x262144xf32, #tpu.memory_space<vmem>>, vector<3x262144xf32>
    tpu.vector_store %arg3[%swap3A, %swap3A_2], %get3A_1 {strides = array<i32>} : memref<3x262144xf32, #tpu.memory_space<vmem>>, vector<3x262144xf32>,
    %get3A_4 = arith.constant 0 : index
    %get3A_5 = arith.constant 0 : index
    %get3A_6 = vector.load %arg2[%get3A_4, %get3A_5] : memref<3x262144xf32, #tpu.memory_space<vmem>>, vector<3x262144xf32>
    %mul3A = arith.constant 5.000000e-01 : f32
    %mul3A_7 = vector.broadcast %mul3A : f32 to vector<3x262144xf32>
    %mul3A_8 = arith.mulf %mul3A_7, %get3A_6 : vector<3x262144xf32>
    %tanh3A = math.tanh %mul3A_8 : vector<3x262144xf32>
    %mul3A_9 = arith.constant 5.000000e-01 : f32
    %mul3A_10 = vector.broadcast %mul3A_9 : f32 to vector<3x262144xf32>
    %mul3A_11 = arith.mulf %mul3A_10, %tanh3A : vector<3x262144xf32>
    %add3A = arith.constant 5.000000e-01 : f32
    %add3A_12 = vector.broadcast %add3A : f32 to vector<3x262144xf32>
    %add3A_13 = arith.addf %mul3A_11, %add3A_12 : vector<3x262144xf32>
    %swap3A_14 = arith.constant 0 : index
    %swap3A_15 = arith.constant 0 : index
    %swap3A_16 = vector.load %arg4[%swap3A_14, %swap3A_15] : memref<3x262144xf32, #tpu.memory_space<vmem>>, vector<3x262144xf32>
    tpu.vector_store %arg4[%swap3A_14, %swap3A_15], %add3A_13 {strides = array<i32>} : memref<3x262144xf32, #tpu.memory_space<vmem>>, vector<3x262144xf32>,
    return
  }
  func.func @transform_0(%arg0: i32) -> (i32, i32) {
    %c0_i32 = arith.constant 0 : i32
    %c0_i32_0 = arith.constant 0 : i32
    return %c0_i32, %arg0 : i32, i32
  }
  func.func @transform_1(%arg0: i32) -> (i32, i32) {
    %c0_i32 = arith.constant 0 : i32
    %c0_i32_0 = arith.constant 0 : i32
    return %c0_i32, %arg0 : i32, i32
  }
  func.func @transform_2(%arg0: i32) -> (i32, i32) {
    %c0_i32 = arith.constant 0 : i32
    %c0_i32_0 = arith.constant 0 : i32
    return %c0_i32, %arg0 : i32, i32
  }
  func.func @transform_3(%arg0: i32) -> (i32, i32) {
    %c0_i32 = arith.constant 0 : i32
    %c0_i32_0 = arith.constant 0 : i32
    return %c0_i32, %arg0 : i32, i32
  }
}

</mosaic_0001>

<sc_bundles>
// kernel: kernel.4.cloned.1.call-start
scs
__scs_entry_jumppad:
0x0: {  	(pc) =	sbr.rel $0x88, $3  }
0x1: {  	(tag) =	ssettag $0x0;
	lr =	simm.s32 $0x1  }
0x2: {  	[smem:$0x3F9D] =	sst lr;
	_ =	strace $0xD0000000  }
0x3: {  	_ = 	snop  }
0x4: {  	_ = 	snop  }
0x5: {  	_ = 	snop  }
0x6: {  	_ = 	snop  }
0x7: {  	_ = 	snop  }
__scs_overlays_trampoline_lowered:
0x8: {  	[smem:$0x3FAC] =	sst s0  }
0x9: {  	[smem:$0x3FAD] =	sst s1  }
0xa: {  	[smem:$0x3FAE] =	sst s2  }
0xb: {  	[smem:$0x3FAF] =	sst s3  }
0xc: {  	[smem:$0x3FB0] =	sst s4  }
0xd: {  	[smem:$0x3FB1] =	sst s5  }
0xe: {  	[smem:$0x3FB2] =	sst s6  }
0xf: {  	[smem:$0x3FB3] =	sst s7  }
0x10: {  	[smem:$0x3FB4] =	sst s8  }
0x11: {  	[smem:$0x3FB5] =	sst s9;
	s0 =	simm.s32 @!p0 $0x0  }
0x12: {  	s1 =	sld [smem:$0x3F9B];
	s0 =	simm.s32 @p0 $0x1  }
0x13: {  	[smem:$0x3FB6] =	sst s0;
	s0 =	simm.s32 @!p1 $0x0  }
0x14: {  	s2 =	sld [smem:$0x3F9A];
	s0 =	simm.s32 @p1 $0x1  }
0x15: {  	[smem:$0x3FB7] =	sst s0;
	s0 =	simm.s32 @!p2 $0x0  }
0x16: {  	s3 =	sld [smem:$0x3FDB];
	s0 =	simm.s32 @p2 $0x1  }
0x17: {  	s4 =	simm.s32 $0x1BF5;
	[smem:$0x3FB9] =	sst s0  }
0x18: {  	s0 =	sld [smem:$0x3F9C];
	_ =	swait.ge [sflag:s4], $0x0  }
0x19: {  	s7 =	sld [smem:$0x3F9D]  }
0x1a: {  	s8 =	sadd.s32 $0xFFFFE003, lr  }
0x1b: {  	s9 =	sadd.s32 $0xFFFFFEF7, lr;
	s5 =	simm.s32 $0xFFFFFFFF;
	p2 =	slt.u32 s8, $0xFFFFF086  }
0x1c: {  	p1 =	slt.u32 s9, $0xF7A;
	s5 =	simm.s32 @!p2 $0x0  }
0x1d: {  	s5 =	simm.s32 @p1 $0x1;
	p0 =	seq.s32 s7, s2  }
0x1e: {  	s7 =	smul.u32 @!p0 $0xF7A, s2;
	p2 =	seq.s32 @!p0 s5, $0x0  }
0x1f: {  	s9 =	smul.u32 $0xF7A, s1;
	s8 =	simm.s32 @!p0 $0x1BF5;
	p2 =	por !p2, p0  }
0x20: {  	[sflag:s8] =	ssyncset.s32 @!p0 $0xFFFFF086;
	s6 =	sadd.s32 @!p0 s3, s7;
	s7 =	simm.s32 @!p0 $0x108  }
0x21: {  	s3 =	sadd.s32 s3, s9;
	s6 =	sadd.s32 @!p0 $0x88, s6;
	s7 =	simm.s32 @p2 $0x1082  }
0x22: {  	[simem:s7], [sflag:s8] =	dma.local @!p0 [hbm:s6], $0xF7A  }
0x23: {  	s9 =	sor.u32 $0xD0000000, s2;
	s6 =	simm.s32 $0x108;
	_ =	swait.ge @!p0 [sflag:s8], $0x0  }
0x24: {  	s3 =	sadd.s32 $0x88, s3;
	s6 =	simm.s32 @!p1 $0x1082;
	[sflag:s4] =	ssyncset.s32 $0xFFFFF086  }
0x25: {  	[simem:s6], [sflag:s4] =	dma.local [hbm:s3], $0xF7A  }
0x26: {  	[smem:$0x3F9D] =	sst s1;
	(tag) =	ssettag s2;
	_ =	strace s9  }
0x27: {  	s1 =	sld [smem:$0x3FAD]  }
0x28: {  	s2 =	sld [smem:$0x3FAE]  }
0x29: {  	s4 =	sld [smem:$0x3FB0]  }
0x2a: {  	p0 =	seq.s32 s5, $0x0;
	s5 =	sld [smem:$0x3FB1]  }
0x2b: {  	s6 =	sld [smem:$0x3FB2]  }
0x2c: {  	s7 =	sld [smem:$0x3FB3]  }
0x2d: {  	s3 =	simm.s32 $0x108;
	s8 =	sld [smem:$0x3FB4]  }
0x2e: {  	s3 =	simm.s32 @!p0 $0x1082;
	s9 =	sld [smem:$0x3FB5]  }
0x2f: {  	lr =	sadd.s32 s0, s3;
	s0 =	sld [smem:$0x3FAC]  }
0x30: {  	s3 =	sld [smem:$0x3FAF]  }
0x31: {  	[smem:$0x3FB8] =	sst s10  }
0x32: {  	s10 =	sld [smem:$0x3FB6];
	_ =	sdelay $0x3  }
0x33: {  	p0 =	seq.s32 s10, $0x1;
	s10 =	sld [smem:$0x3FB8];
	_ =	sdelay $0x3  }
0x34: {  	[smem:$0x3FB8] =	sst s10  }
0x35: {  	s10 =	sld [smem:$0x3FB7];
	_ =	sdelay $0x3  }
0x36: {  	p1 =	seq.s32 s10, $0x1;
	s10 =	sld [smem:$0x3FB8];
	_ =	sdelay $0x3  }
0x37: {  	[smem:$0x3FB8] =	sst s10  }
0x38: {  	s10 =	sld [smem:$0x3FB9]  }
0x39: {  	_ = 	snop;
	(pc) =	sbr.ind lr, $3  }
0x3a: {  	_ = 	snop  }
0x3b: {  	_ = 	snop  }
0x3c: {  	p2 =	seq.s32 s10, $0x1;
	s10 =	sld [smem:$0x3FB8]  }
0x3d: {  	_ =	shalt  }
0x3e: {  	_ =	shalt  }
0x3f: {  	_ =	shalt  }
0x40: {  	_ =	shalt  }
0x41: {  	_ =	shalt  }
0x42: {  	_ =	shalt  }
0x43: {  	_ =	shalt  }
0x44: {  	_ =	shalt  }
0x45: {  	_ =	shalt  }
0x46: {  	_ =	shalt  }
0x47: {  	_ =	shalt  }
0x48: {  	_ =	shalt  }
0x49: {  	_ =	shalt  }
0x4a: {  	_ =	shalt  }
0x4b: {  	_ =	shalt  }
0x4c: {  	_ =	shalt  }
0x4d: {  	_ =	shalt  }
0x4e: {  	_ =	shalt  }
0x4f: {  	_ =	shalt  }
0x50: {  	_ =	shalt  }
0x51: {  	_ =	shalt  }
0x52: {  	_ =	shalt  }
0x53: {  	_ =	shalt  }
0x54: {  	_ =	shalt  }
0x55: {  	_ =	shalt  }
0x56: {  	_ =	shalt  }
0x57: {  	_ =	shalt  }
0x58: {  	_ =	shalt  }
0x59: {  	_ =	shalt  }
0x5a: {  	_ =	shalt  }
0x5b: {  	_ =	shalt  }
0x5c: {  	_ =	shalt  }
0x5d: {  	_ =	shalt  }
0x5e: {  	_ =	shalt  }
0x5f: {  	_ =	shalt  }
0x60: {  	_ =	shalt  }
0x61: {  	_ =	shalt  }
0x62: {  	_ =	shalt  }
0x63: {  	_ =	shalt  }
0x64: {  	_ =	shalt  }
0x65: {  	_ =	shalt  }
0x66: {  	_ =	shalt  }
0x67: {  	_ =	shalt  }
0x68: {  	_ =	shalt  }
0x69: {  	_ =	shalt  }
0x6a: {  	_ =	shalt  }
0x6b: {  	_ =	shalt  }
0x6c: {  	_ =	shalt  }
0x6d: {  	_ =	shalt  }
0x6e: {  	_ =	shalt  }
0x6f: {  	_ =	shalt  }
0x70: {  	_ =	shalt  }
0x71: {  	_ =	shalt  }
0x72: {  	_ =	shalt  }
0x73: {  	_ =	shalt  }
0x74: {  	_ =	shalt  }
0x75: {  	_ =	shalt  }
0x76: {  	_ =	shalt  }
0x77: {  	_ =	shalt  }
0x78: {  	_ =	shalt  }
0x79: {  	_ =	shalt  }
0x7a: {  	_ =	shalt  }
0x7b: {  	_ =	shalt  }
0x7c: {  	_ =	shalt  }
0x7d: {  	_ =	shalt  }
0x7e: {  	_ =	shalt  }
0x7f: {  	_ =	shalt  }
0x80: {  	_ =	shalt  }
0x81: {  	_ =	shalt  }
0x82: {  	_ =	shalt  }
0x83: {  	_ =	shalt  }
0x84: {  	_ =	shalt  }
0x85: {  	_ =	shalt  }
0x86: {  	_ =	shalt  }
0x87: {  	_ =	shalt  }
.Lfunc_end0:
.L_simem_size_0:
called_computation_lowered:
.L_overlay_start_0:
0x88: {  	s2 =	sld [smem:$0x3FD9]  }
0x89: {  	s3 =	sld [smem:$0x3FFE];
	_ =	sdelay $0x1  }
0x8a: {  	s1 =	srdreg.scid  }
0x8b: {  	s0 =	sand.u32 $0x1, s1  }
0x8c: {  	s15 =	sshll.u32 s0, $0xA;
	s2 =	sadd.s32 s3, s2  }
0x8d: {  	s2 =	sadd.s32 s2, s15  }
0x8e: {  	[smem:$0x3FC4] =	sst s2  }
0x8f: {  	_ = 	snop  }
0x90: {  	s2 =	sld [smem:$0x3FD0];
	_ =	sdelay $0x1  }
0x91: {  	s16 =	sld [smem:$0x3FC7]  }
0x92: {  	s5 =	simm.s32 $0xA;
	s6 =	simm.s32 $0x10;
	s4 =	sld [smem:$0x3FC6]  }
0x93: {  	[smem:s6], [sflag:s5] =	dma.local [hbm:s2], $0x1  }
0x94: {  	_ =	swait.eq [sflag:s5], $0x1  }
0x95: {  	[sflag:s5] =	ssyncset.done $0x0  }
0x96: {  	s17 =	sld [smem:$0x12];
	[sflag:s5] =	ssyncadd.s32 $0xFFFFFFFF  }
0x97: {  	s18 =	sld [smem:$0x13];
	(tm) =	ssettm $0x1  }
0x98: {  	s19 =	sld [smem:$0x3FFB];
	_ =	sdelay $0x3  }
0x99: {  	_ =	strace s19  }
0x9a: {  	s6 =	sld [smem:$0x3FFC];
	_ =	sdelay $0x3  }
0x9b: {  	_ =	strace s6  }
0x9c: {  	s6 =	sld [smem:$0x3FFD];
	_ =	sdelay $0x3  }
0x9d: {  	_ =	strace s6  }
0x9e: {  	_ =	strace $0x8FFFFFFF  }
0x9f: {  	s20 =	sld [smem:$0x3FDB];
	_ =	sdelay $0x1  }
0xa0: {  	s7 =	simm.s32 $_scs_section_size  }
0xa1: {  	s8 =	simm.s32 $_size__tile_overlayer_lowered;
	s9 =	simm.s32 $_tile_overlayer_lowered  }
0xa2: {  	s23 =	simm.s32 $0x1BFF;
	s22 =	sshll.u32 s9, $0x1;
	s6 =	sadd.s32 s7, s20  }
0xa3: {  	s10 =	simm.s32 $0x0;
	s21 =	sshll.u32 s8, $0x1;
	s8 =	sadd.s32 s22, s6  }
0xa4: {  	[timem:s10], [sflag:s23] =	dma.local [hbm:s8], s21  }
0xa5: {  	_ =	swait.ge [sflag:s23], s21  }
0xa6: {  	s7 =	ssub.s32 $0x0, s21;
	[sflag:s23] =	ssyncset.done $0x0  }
0xa7: {  	[sflag:s23] =	ssyncadd.s32 s7;
	_ =	sdelay $0x1  }
0xa8: {  	s24 =	simm.s32 $0x1B8B  }
0xa9: {  	_ =	swait.ge [sflag:s24], $0x1  }
0xaa: {  	[sflag:s24] =	ssyncset.done $0x0  }
0xab: {  	s25 =	simm.s32 $0x1B8E;
	[sflag:s24] =	ssyncadd.s32 $0xFFFFFFFF  }
0xac: {  	s26 =	simm.s32 $execute0_lowered;
	[smem:$0x3FD2] =	sst s25  }
0xad: {  	s7 =	sshll.u32 s26, $0x1;
	_ =	strace $0x80000046;
	[dreg:$0x1] =	wrdreg $0xFFFFFFFF  }
0xae: {  	s28 =	simm.s32 $_size_execute0_lowered;
	s6 =	sadd.s32 s6, s7;
	[dreg:$0x0] =	wrdreg $0x0  }
0xaf: {  	s7 =	sshll.u32 s28, $0x1;
	[dreg:$0x2] =	wrdreg s6  }
0xb0: {  	[dreg:$0x3] =	wrdreg s7  }
0xb1: {  	[dreg:$0x4] =	wrdreg $0xC0  }
0xb2: {  	_ =	task [dreg:s10], $0x5FFFF  }
0xb3: {  	[dreg:$0x1] =	wrdreg $0xFFFFFFFF  }
0xb4: {  	[dreg:$0x0] =	wrdreg $0x60  }
0xb5: {  	[dreg:$0x2] =	wrdreg s16  }
0xb6: {  	[dreg:$0x3] =	wrdreg s4  }
0xb7: {  	[dreg:$0x4] =	wrdreg s17  }
0xb8: {  	[dreg:$0x5] =	wrdreg s18  }
0xb9: {  	[dreg:$0x6] =	wrdreg $0x9  }
0xba: {  	_ =	task.clear_ibuf [dreg:s10], $0x7FFFF;
	_ =	strace $0x90000046  }
0xbb: {  	s29 =	simm.s32 $0x9;
	_ =	strace $0x80000048  }
0xbc: {  	_ =	swait.ge [sflag:s29], $0x1  }
0xbd: {  	[sflag:s29] =	ssyncadd.s32 $0xFFFFFFFF  }
0xbe: {  	_ =	strace $0x90000048  }
0xbf: {  	_ =	sfence  }
0xc0: {  	s30 =	sld [smem:$0x0];
	_ =	sdelay $0x2  }
0xc1: {  	s31 =	sshll.u32 s1, $0xD;
	s1 =	sshrl.u32 s1, $0x2  }
0xc2: {  	s3 =	sand.u32 $0x4000, s31;
	s1 =	sadd.s32 s1, s30  }
0xc3: {  	s0 =	sor.u32 s3, s0;
	s1 =	sshll.u32 s1, $0x11  }
0xc4: {  	s0 =	sor.u32 s1, s0  }
0xc5: {  	s0 =	sadd.s32 $0x8F2B, s0  }
0xc6: {  	[sflag:s0] =	ssyncadd.remote.s32 $0x1  }
0xc7: {  	_ =	sfence.sel $0xFFFF  }
0xc8: {  	[dreg:$0x0] =	wrdreg $0xFFFFFFFF;
	(pc) =	sbr.abs _section_cstart, $3  }
0xc9: {  	[dreg:$0x1] =	wrdreg $0xFFFFFFFF  }
0xca: {  	_ =	task.clear_ibuf [dreg:s10], $0x2FFFF;
	_ =	strace $0x9FFFFFFF  }
0xcb: {  	(tm) =	ssettm $0x7FFFFFFF  }
tec
execute0_lowered:
.L_overlay_start_1:
0x0: {  	(tag) =	ssettag $0x1  }
0x1: {  	s1 =	rddreg [dreg:$0x0]  }
0x2: {  	s2 =	rddreg [dreg:$0x1]  }
0x3: {  	s3 =	rddreg [dreg:$0x2]  }
0x4: {  	s0 =	srdreg.scid;
	s4 =	rddreg [dreg:$0x3];
	s6 =	simm.s32 $0x0  }
.Ltmp0:
0x5: {  	s7 =	stileid.u32;
	s5 =	sand.u32 $0x1, s0;
	(pc) =	sbr.rel .LBB2_1-.Ltmp0, $4  }
0x6: {  	s10 =	simm.s32 $0x1;
	s11 =	simm.s32 $0x3E80;
	s8 =	ssub.s32 $0x2, s5  }
0x7: {  	s12 =	simm.s32 $0x2;
	s0 =	rddreg [dreg:$0x4];
	s9 =	sshrl.u32 s8, $0x1  }
0x8: {  	s13 =	simm.s32 $0x0;
	[smem:$0x7FF] =	sst s6;
	s9 =	ssub.s32 s8, s9  }
0x9: {  	_ =	strace $0x80000047;
	s8 =	sshll.u32 s7, $0x1;
	s9 =	smax.u32 s9, $0x1  }
.LBB2_9:
0xa: {  	s13 =	sadd.s32 $0x1, s13  }
0xb: {  	p0 =	sne.s32 s13, s9  }
.Ltmp1:
0xc: {  	_ = 	snop;
	(pc) =	sbr.rel @!p0 .LBB2_10-.Ltmp1, $1  }
0xd: {  	_ =	sdelay $0x3  }
.LBB2_1:
.Ltmp2:
0xe: {  	(pc) =	sbr.rel .LBB2_2-.Ltmp2, $2  }
0xf: {  	_ =	sdelay $0x2  }
0x10: {  	s14 =	simm.s32 $0x0  }
.LBB2_8:
0x11: {  	s14 =	sadd.s32 $0x1, s14  }
0x12: {  	p0 =	sne.s32 s14, $0x4  }
.Ltmp3:
0x13: {  	_ = 	snop;
	(pc) =	sbr.rel @!p0 .LBB2_9-.Ltmp3, $1  }
0x14: {  	_ =	sdelay $0x3  }
.LBB2_2:
0x15: {  	s15 =	sshll.u32 s14, $0x5  }
0x16: {  	s15 =	sor.u32 s15, s8  }
0x17: {  	s15 =	sor.u32 s5, s15  }
0x18: {  	p0 =	sgt.u32 s15, $0x7C  }
.Ltmp4:
0x19: {  	_ = 	snop;
	(pc) =	sbr.rel @p0 .LBB2_8-.Ltmp4, $1  }
0x1a: {  	_ =	sdelay $0x3  }
0x1b: {  	s15 =	smul.u32 $0x7D0, s15;
	_ =	sdelay $0x1  }
0x1c: {  	s16 =	sadd.s32 s1, s15  }
0x1d: {  	[tilespmem:s6], [sflag:$0x1] =	stream.linear.gather [hbm4b:s16+s6], $0x3E80, $0x38;
	[tilespmem:$0x7D00] =	vst v63  }
0x1e: {  	_ =	swait.ge [sflag:s10], $0x3E80  }
0x1f: {  	[sflag:s10] =	ssyncset.done $0x0  }
0x20: {  	s17 =	simm.s32 $0x40;
	[sflag:s10] =	ssyncadd.s32 $0xFFFFC180  }
0x21: {  	v0 =	vld [tilespmem:s17+$0xFFFFFFC0]  }
0x22: {  	v1 =	vld [tilespmem:s17+$0xFFFFFFE0];
	_ =	sdelay $0x2  }
0x23: {  	v2 =	vld [tilespmem:s17+$0x20]  }
0x24: {  	v3 =	vld [tilespmem:s17+$0x30];
	v0 =	vsub.f32 $0.0e+00, v0  }
0x25: {  	v5 =	vld [tilespmem:s17+$0xFFFFFFF0];
	v1 =	vsub.f32 $0.0e+00, v1  }
0x26: {  	v4 =	vld [tilespmem:s17+$0x10];
	v0 =	vmul.f32 $1.442695020e+00, v0  }
0x27: {  	v1 =	vmul.f32 $1.442695020e+00, v1  }
0x28: {  	s16 =	simm.s32 $0xC0;
	v6 =	vld [tilespmem:s17+$0xFFFFFFD0];
	(erf) = vpow2.f32 v0;
	v0 =	vsub.f32 $0.0e+00, v2  }
0x29: {  	v7 =	vld [tilespmem:s16+$0x30];
	v2 =	vsub.f32 $0.0e+00, v3;
	(erf) = vpow2.f32 v1  }
0x2a: {  	v5 =	vsub.f32 $0.0e+00, v5;
	v1 =	vld [tilespmem:s17+$0x0];
	v0 =	vmul.f32 $1.442695020e+00, v0  }
0x2b: {  	v3 =	vsub.f32 $0.0e+00, v4;
	v4 =	vld [tilespmem:s16+$0xFFFFFFC0];
	v2 =	vmul.f32 $1.442695020e+00, v2  }
0x2c: {  	v5 =	vmul.f32 $1.442695020e+00, v5;
	(erf) = vpow2.f32 v0;
	v0 =	vld [tilespmem:s16+$0xFFFFFFE0]  }
0x2d: {  	v6 =	vsub.f32 $0.0e+00, v6;
	v3 =	vmul.f32 $1.442695020e+00, v3;
	(erf) = vpow2.f32 v2;
	v2 =	vld [tilespmem:s16+$0x20];
	_ =	sdelay $0x1  }
0x2e: {  	v6 =	vmul.f32 $1.442695020e+00, v6;
	v1 =	vsub.f32 $0.0e+00, v1;
	(erf) = vpow2.f32 v3  }
0x2f: {  	v3 =	vsub.f32 $0.0e+00, v4;
	(erf) = vpow2.f32 v5  }
0x30: {  	v4 =	vld [tilespmem:s16+$0x10];
	v1 =	vmul.f32 $1.442695020e+00, v1;
	(erf) = vpow2.f32 v6;
	v5 =	vpop (erf);
	v0 =	vsub.f32 $0.0e+00, v0  }
0x31: {  	v9 =	vld [tilespmem:s16+$0x0];
	v7 =	vsub.f32 $0.0e+00, v7;
	v3 =	vmul.f32 $1.442695020e+00, v3;
	v8 =	vpop (erf);
	v2 =	vsub.f32 $0.0e+00, v2  }
0x32: {  	v6 =	vld [tilespmem:s16+$0xFFFFFFF0];
	(erf) = vpow2.f32 v1;
	v8 =	vadd.f32 $1.000000000e+00, v8;
	v0 =	vmul.f32 $1.442695020e+00, v0  }
0x33: {  	v7 =	vmul.f32 $1.442695020e+00, v7;
	(erf) = vpow2.f32 v3  }
0x34: {  	s18 =	simm.s32 $0x140;
	v2 =	vmul.f32 $1.442695020e+00, v2;
	(erf) = vrcp.f32 v8  }
0x35: {  	v10 =	vld [tilespmem:s18+$0xFFFFFFC0];
	v4 =	vsub.f32 $0.0e+00, v4;
	v3 =	vpop (erf);
	(erf) = vpow2.f32 v0  }
0x36: {  	v3 =	vadd.f32 $1.000000000e+00, v3;
	v0 =	vpop (erf);
	(erf) = vpow2.f32 v2;
	v2 =	vsub.f32 $0.0e+00, v9;
	v9 =	vld [tilespmem:s18+$0xFFFFFFE0]  }
0x37: {  	v1 =	vld [tilespmem:s16+$0xFFFFFFD0];
	v6 =	vsub.f32 $0.0e+00, v6;
	v4 =	vmul.f32 $1.442695020e+00, v4;
	v8 =	vpop (erf);
	(erf) = vpow2.f32 v7  }
0x38: {  	v11 =	vld [tilespmem:s18+$0x30];
	v5 =	vadd.f32 $1.000000000e+00, v5;
	v7 =	vpop (erf);
	(erf) = vrcp.f32 v3  }
0x39: {  	v15 =	vld [tilespmem:s18+$0xFFFFFFD0];
	v3 =	vmul.f32 $1.442695020e+00, v6;
	v6 =	vadd.f32 $1.000000000e+00, v8;
	v8 =	vpop (erf);
	(erf) = vpow2.f32 v4  }
0x3a: {  	v10 =	vsub.f32 $0.0e+00, v10;
	v4 =	vadd.f32 $1.000000000e+00, v8;
	(erf) = vrcp.f32 v5  }
0x3b: {  	v8 =	vld [tilespmem:s18+$0x20];
	(erf) = vpow2.f32 v3;
	v3 =	vmul.f32 $1.442695020e+00, v2;
	v2 =	vsub.f32 $0.0e+00, v9  }
0x3c: {  	v1 =	vsub.f32 $0.0e+00, v1;
	v5 =	vadd.f32 $1.000000000e+00, v7;
	v7 =	vpop (erf);
	v9 =	vld [tilespmem:s18+$0xFFFFFFF0]  }
0x3d: {  	v12 =	vld [tilespmem:s18+$0x10];
	v13 =	vpop (erf);
	(erf) = vrcp.f32 v4;
	v16 =	vmul.f32 $1.442695020e+00, v2;
	v2 =	vsub.f32 $0.0e+00, v11  }
0x3e: {  	v62 =	vsub.f32 $0.0e+00, v15;
	v1 =	vmul.f32 $1.442695020e+00, v1;
	(erf) = vrcp.f32 v6;
	v4 =	vpop (erf)  }
0x3f: {  	v0 =	vadd.f32 $1.000000000e+00, v0;
	(erf) = vrcp.f32 v5;
	v5 =	vmul.f32 $1.442695020e+00, v10;
	v11 =	vpop (erf)  }
0x40: {  	v14 =	vld [tilespmem:s18+$0x0];
	v8 =	vsub.f32 $0.0e+00, v8;
	(erf) = vpow2.f32 v1;
	v6 =	vmul.f32 $1.442695020e+00, v2;
	v10 =	vpop (erf)  }
0x41: {  	v1 =	vadd.f32 $1.000000000e+00, v11;
	(erf) = vrcp.f32 v0;
	v9 =	vsub.f32 $0.0e+00, v9;
	v2 =	vpop (erf)  }
0x42: {  	v17 =	vmul.f32 $1.442695020e+00, v8;
	(erf) = vpow2.f32 v3;
	v8 =	vsub.f32 $0.0e+00, v12;
	v11 =	vpop (erf)  }
0x43: {  	v7 =	vadd.f32 $1.000000000e+00, v7;
	(erf) = vpow2.f32 v5;
	v5 =	vmul.f32 $1.442695020e+00, v9;
	v61 =	vpop (erf)  }
0x44: {  	(erf) = vrcp.f32 v1;
	v8 =	vmul.f32 $1.442695020e+00, v8;
	v3 =	vpop (erf)  }
0x45: {  	[tilespmem:s17+$0xFFFFFFE0] =	vst v4;
	v0 =	vsub.f32 $0.0e+00, v14;
	v1 =	vmul.f32 $1.442695020e+00, v62;
	(erf) = vrcp.f32 v7;
	v9 =	vpop (erf)  }
0x46: {  	[tilespmem:s17+$0x20] =	vst v11;
	v11 =	vadd.f32 $1.000000000e+00, v10;
	v10 =	vadd.f32 $1.000000000e+00, v13;
	(erf) = vpow2.f32 v16;
	v63 =	vpop (erf)  }
0x47: {  	s19 =	simm.s32 $0x100;
	s20 =	simm.s32 $0x1C0;
	v4 =	vadd.f32 $1.000000000e+00, v61;
	(erf) = vpow2.f32 v17;
	v7 =	vadd.f32 $1.000000000e+00, v9;
	[tilespmem:s17+$0xFFFFFFD0] =	vst v63;
	v9 =	vpop (erf)  }
.LBB2_4:
0x48: {  	v12 =	vld [tilespmem:s20+$0xFFFFFFE0];
	s19 =	sadd.s32 $0x80, s19;
	(erf) = vpow2.f32 v6;
	v13 =	vadd.f32 $1.000000000e+00, v2;
	[tilespmem:s17+$0x10] =	vst v9;
	v2 =	vpop (erf)  }
0x49: {  	v6 =	vld [tilespmem:s20+$0xFFFFFFC0];
	p0 =	slt.u32 s19, $0x3E00;
	v9 =	vpop (erf);
	(erf) = vrcp.f32 v11  }
0x4a: {  	v11 =	vld [tilespmem:s20+$0x30];
	(erf) = vpow2.f32 v8;
	v15 =	vadd.f32 $1.000000000e+00, v9;
	[tilespmem:s17+$0xFFFFFFC0] =	vst v3;
	v3 =	vpop (erf)  }
0x4b: {  	v9 =	vld [tilespmem:s20+$0x20];
	(erf) = vrcp.f32 v10;
	v10 =	vpop (erf);
	[tilespmem:s17+$0x30] =	vst v3  }
0x4c: {  	v0 =	vmul.f32 $1.442695020e+00, v0;
	v3 =	vld [tilespmem:s20+$0x10];
	v14 =	vpop (erf);
	(erf) = vpow2.f32 v5;
	v10 =	vadd.f32 $1.000000000e+00, v10  }
0x4d: {  	v5 =	vsub.f32 $0.0e+00, v12;
	v12 =	vld [tilespmem:s20+$0xFFFFFFF0];
	(erf) = vrcp.f32 v15;
	v8 =	vpop (erf)  }
0x4e: {  	v6 =	vsub.f32 $0.0e+00, v6;
	v15 =	vld [tilespmem:s20+$0x0];
	(erf) = vrcp.f32 v4;
	[tilespmem:s17+$0xFFFFFFF0] =	vst v2;
	v2 =	vpop (erf)  }
0x4f: {  	v4 =	vld [tilespmem:s20+$0xFFFFFFD0];
	v16 =	vmul.f32 $1.442695020e+00, v5;
	v5 =	vsub.f32 $0.0e+00, v11;
	v11 =	vpop (erf);
	(erf) = vrcp.f32 v7;
	[tilespmem:s17+$0x0] =	vst v2;
	s17 =	smov.u32 s16;
	s16 =	smov.u32 s18;
	s18 =	smov.u32 s20  }
0x50: {  	v18 =	vmul.f32 $1.442695020e+00, v6;
	v9 =	vsub.f32 $0.0e+00, v9;
	(erf) = vpow2.f32 v1;
	v17 =	vpop (erf);
	[tilespmem:s17+$0xFFFFFFE0] =	vst v8  }
0x51: {  	v1 =	vadd.f32 $1.000000000e+00, v11;
	v6 =	vmul.f32 $1.442695020e+00, v5;
	v2 =	vpop (erf);
	(erf) = vrcp.f32 v13  }
0x52: {  	v5 =	vsub.f32 $0.0e+00, v12;
	v9 =	vmul.f32 $1.442695020e+00, v9;
	(erf) = vpow2.f32 v0;
	v8 =	vpop (erf)  }
.Ltmp5:
0x53: {  	v11 =	vsub.f32 $0.0e+00, v3;
	v0 =	vsub.f32 $0.0e+00, v15;
	(erf) = vpow2.f32 v18;
	v7 =	vpop (erf);
	[tilespmem:s17+$0x20] =	vst v8;
	(pc) =	sbr.rel @p0 .LBB2_4-.Ltmp5, $4  }
0x54: {  	v13 =	vsub.f32 $0.0e+00, v4;
	v5 =	vmul.f32 $1.442695020e+00, v5;
	(erf) = vrcp.f32 v1;
	v3 =	vpop (erf)  }
0x55: {  	v8 =	vmul.f32 $1.442695020e+00, v11;
	v4 =	vadd.f32 $1.000000000e+00, v7;
	v7 =	vpop (erf);
	(erf) = vrcp.f32 v10  }
0x56: {  	v11 =	vadd.f32 $1.000000000e+00, v17;
	v1 =	vmul.f32 $1.442695020e+00, v13;
	(erf) = vpow2.f32 v16;
	v12 =	vpop (erf)  }
0x57: {  	s20 =	sadd.s32 $0x80, s20;
	v10 =	vadd.f32 $1.000000000e+00, v14;
	v7 =	vadd.f32 $1.000000000e+00, v7;
	(erf) = vpow2.f32 v9;
	[tilespmem:s17+$0xFFFFFFD0] =	vst v12;
	v9 =	vpop (erf)  }
0x58: {  	(erf) = vpow2.f32 v6;
	v6 =	vpop (erf)  }
0x59: {  	v12 =	vpop (erf);
	(erf) = vrcp.f32 v11  }
0x5a: {  	(erf) = vpow2.f32 v8;
	v8 =	vpop (erf)  }
0x5b: {  	v56 =	vadd.f32 $1.000000000e+00, v12;
	(erf) = vrcp.f32 v10;
	v57 =	vpop (erf)  }
0x5c: {  	v58 =	vpop (erf);
	(erf) = vpow2.f32 v5  }
0x5d: {  	(erf) = vrcp.f32 v56;
	v5 =	vpop (erf)  }
0x5e: {  	(erf) = vrcp.f32 v4;
	v4 =	vpop (erf)  }
0x5f: {  	v59 =	vpop (erf);
	(erf) = vrcp.f32 v7  }
0x60: {  	v2 =	vadd.f32 $1.000000000e+00, v2;
	(erf) = vpow2.f32 v1;
	v1 =	vpop (erf)  }
0x61: {  	v0 =	vmul.f32 $1.442695020e+00, v0;
	v7 =	vpop (erf)  }
0x62: {  	v13 =	vpop (erf)  }
0x63: {  	v14 =	vpop (erf);
	(erf) = vrcp.f32 v2  }
0x64: {  	v2 =	vpop (erf);
	(erf) = vpow2.f32 v0  }
0x65: {  	v0 =	vpop (erf)  }
0x66: {  	[tilespmem:s17+$0x10] =	vst v9;
	v11 =	vadd.f32 $1.000000000e+00, v59;
	v15 =	vpop (erf)  }
0x67: {  	[tilespmem:s17+$0xFFFFFFC0] =	vst v3;
	v60 =	vadd.f32 $1.000000000e+00, v57;
	v61 =	vpop (erf)  }
0x68: {  	[tilespmem:s17+$0x30] =	vst v8;
	v1 =	vadd.f32 $1.000000000e+00, v1;
	(erf) = vrcp.f32 v11;
	v3 =	vpop (erf)  }
0x69: {  	v8 =	vadd.f32 $1.000000000e+00, v58;
	[tilespmem:s17+$0x0] =	vst v4;
	v4 =	vadd.f32 $1.000000000e+00, v14;
	(erf) = vrcp.f32 v60;
	v62 =	vpop (erf)  }
0x6a: {  	[tilespmem:s17+$0xFFFFFFF0] =	vst v6;
	(erf) = vrcp.f32 v1;
	v1 =	vadd.f32 $1.000000000e+00, v62  }
0x6b: {  	[tilespmem:s16+$0xFFFFFFE0] =	vst v5;
	(erf) = vrcp.f32 v8  }
0x6c: {  	[tilespmem:s16+$0x20] =	vst v13;
	v0 =	vadd.f32 $1.000000000e+00, v0;
	(erf) = vrcp.f32 v1;
	v5 =	vpop (erf)  }
0x6d: {  	[tilespmem:s16+$0xFFFFFFC0] =	vst v2;
	v1 =	vadd.f32 $1.000000000e+00, v7;
	(erf) = vrcp.f32 v4;
	v4 =	vpop (erf)  }
0x6e: {  	[tilespmem:s16+$0xFFFFFFD0] =	vst v15;
	(erf) = vrcp.f32 v0;
	v0 =	vadd.f32 $1.000000000e+00, v4  }
0x6f: {  	[tilespmem:s16+$0x10] =	vst v61;
	(erf) = vrcp.f32 v1  }
0x70: {  	[tilespmem:s16+$0xFFFFFFF0] =	vst v3;
	(erf) = vrcp.f32 v0  }
0x71: {  	[tilespmem:s16+$0x30] =	vst v5;
	v1 =	vpop (erf)  }
0x72: {  	[tilespmem:s18+$0xFFFFFFE0] =	vst v1;
	v0 =	vpop (erf)  }
0x73: {  	[tilespmem:s16+$0x0] =	vst v0;
	v0 =	vpop (erf)  }
0x74: {  	v1 =	vpop (erf);
	[tilespmem:s18+$0x20] =	vst v0  }
0x75: {  	v0 =	vpop (erf);
	[tilespmem:s18+$0xFFFFFFC0] =	vst v1  }
0x76: {  	[tilespmem:s18+$0xFFFFFFD0] =	vst v0;
	v0 =	vpop (erf)  }
0x77: {  	[tilespmem:s18+$0x10] =	vst v0;
	v0 =	vpop (erf)  }
0x78: {  	v1 =	vpop (erf);
	[tilespmem:s18+$0xFFFFFFF0] =	vst v0  }
0x79: {  	[tilespmem:s18+$0x30] =	vst v1;
	v0 =	vpop (erf)  }
0x7a: {  	s30 =	sadd.s32 s3, s15;
	[tilespmem:s18+$0x0] =	vst v0  }
0x7b: {  	[hbm4b:s30+s6] =	stream.linear.scatter [tilespmem:s6], [sflag:$0x1], $0x3E80, $0x38;
	[tilespmem:$0x7D00] =	vst v63  }
0x7c: {  	_ =	swait.ge [sflag:s10], $0x3E80  }
0x7d: {  	[sflag:s10] =	ssyncset.done $0x0  }
0x7e: {  	s31 =	sadd.s32 s2, s15;
	[sflag:s10] =	ssyncadd.s32 $0xFFFFC180  }
0x7f: {  	[tilespmem:s11], [sflag:$0x2] =	stream.linear.gather [hbm4b:s31+s6], $0x3E80, $0x38;
	[tilespmem:$0x7D00] =	vst v63  }
0x80: {  	_ =	swait.ge [sflag:s12], $0x3E80  }
0x81: {  	[sflag:s12] =	ssyncset.done $0x0  }
0x82: {  	s17 =	simm.s32 $0x3EC0;
	[sflag:s12] =	ssyncadd.s32 $0xFFFFC180  }
0x83: {  	v0 =	vld [tilespmem:s17+$0x30]  }
0x84: {  	v1 =	vld [tilespmem:s17+$0xFFFFFFD0]  }
0x85: {  	v2 =	vld [tilespmem:s17+$0xFFFFFFE0]  }
0x86: {  	v3 =	vld [tilespmem:s17+$0xFFFFFFF0]  }
0x87: {  	v4 =	vld [tilespmem:s17+$0x0]  }
0x88: {  	v5 =	vld [tilespmem:s17+$0x10]  }
0x89: {  	v6 =	vld [tilespmem:s17+$0x20];
	v0 =	vmul.f32 $1.442695020e+00, v0  }
0x8a: {  	s16 =	simm.s32 $0x3F40;
	v7 =	vld [tilespmem:s17+$0xFFFFFFC0];
	v1 =	vmul.f32 $1.442695020e+00, v1;
	v2 =	vmul.f32 $1.442695020e+00, v2  }
0x8b: {  	v3 =	vmul.f32 $1.442695020e+00, v3;
	(erf) = vpow2.f32 v0;
	v0 =	vld [tilespmem:s16+$0x30]  }
0x8c: {  	v4 =	vmul.f32 $1.442695020e+00, v4;
	(erf) = vpow2.f32 v1;
	v1 =	vld [tilespmem:s16+$0xFFFFFFD0]  }
0x8d: {  	v5 =	vmul.f32 $1.442695020e+00, v5;
	(erf) = vpow2.f32 v2;
	v2 =	vld [tilespmem:s16+$0xFFFFFFE0]  }
0x8e: {  	v6 =	vmul.f32 $1.442695020e+00, v6;
	(erf) = vpow2.f32 v3;
	v3 =	vld [tilespmem:s16+$0xFFFFFFF0]  }
0x8f: {  	v7 =	vmul.f32 $1.442695020e+00, v7;
	(erf) = vpow2.f32 v4;
	v4 =	vld [tilespmem:s16+$0x0]  }
0x90: {  	(erf) = vpow2.f32 v5;
	v5 =	vld [tilespmem:s16+$0x10];
	v0 =	vmul.f32 $1.442695020e+00, v0  }
0x91: {  	(erf) = vpow2.f32 v6;
	v1 =	vmul.f32 $1.442695020e+00, v1;
	v6 =	vld [tilespmem:s16+$0x20]  }
0x92: {  	s18 =	simm.s32 $0x3FC0;
	(erf) = vpow2.f32 v7;
	v7 =	vld [tilespmem:s16+$0xFFFFFFC0];
	v2 =	vmul.f32 $1.442695020e+00, v2  }
0x93: {  	v8 =	vld [tilespmem:s18+$0x30];
	(erf) = vpow2.f32 v0;
	v0 =	vmul.f32 $1.442695020e+00, v3  }
0x94: {  	(erf) = vpow2.f32 v1;
	v4 =	vmul.f32 $1.442695020e+00, v4  }
0x95: {  	v1 =	vpop (erf);
	(erf) = vpow2.f32 v2;
	v5 =	vmul.f32 $1.442695020e+00, v5  }
0x96: {  	v3 =	vld [tilespmem:s18+$0xFFFFFFD0];
	[tilespmem:s17+$0x30] =	vst v1;
	v1 =	vpop (erf);
	(erf) = vpow2.f32 v0;
	v6 =	vmul.f32 $1.442695020e+00, v6  }
0x97: {  	v63 =	vld [tilespmem:s18+$0xFFFFFFE0];
	[tilespmem:s17+$0xFFFFFFD0] =	vst v1;
	v0 =	vpop (erf);
	(erf) = vpow2.f32 v4;
	v4 =	vmul.f32 $1.442695020e+00, v7  }
0x98: {  	v2 =	vld [tilespmem:s18+$0xFFFFFFF0];
	v7 =	vmul.f32 $1.442695020e+00, v8;
	[tilespmem:s17+$0xFFFFFFE0] =	vst v0;
	v1 =	vpop (erf);
	(erf) = vpow2.f32 v5  }
0x99: {  	v0 =	vld [tilespmem:s18+$0x0];
	[tilespmem:s17+$0xFFFFFFF0] =	vst v1;
	v5 =	vpop (erf);
	(erf) = vpow2.f32 v6  }
0x9a: {  	v1 =	vld [tilespmem:s18+$0x10];
	[tilespmem:s17+$0x0] =	vst v5;
	v6 =	vpop (erf);
	(erf) = vpow2.f32 v4  }
0x9b: {  	v5 =	vmul.f32 $1.442695020e+00, v3;
	v3 =	vld [tilespmem:s18+$0x20];
	[tilespmem:s17+$0x10] =	vst v6;
	v8 =	vpop (erf);
	(erf) = vpow2.f32 v7  }
0x9c: {  	s19 =	simm.s32 $0x100;
	s20 =	simm.s32 $0x4040;
	v4 =	vld [tilespmem:s18+$0xFFFFFFC0];
	v6 =	vmul.f32 $1.442695020e+00, v63;
	[tilespmem:s17+$0x20] =	vst v8;
	v7 =	vpop (erf)  }
.LBB2_6:
0x9d: {  	v8 =	vld [tilespmem:s20+$0x30];
	s19 =	sadd.s32 $0x80, s19;
	v2 =	vmul.f32 $1.442695020e+00, v2;
	(erf) = vpow2.f32 v5;
	v5 =	vpop (erf);
	[tilespmem:s17+$0xFFFFFFC0] =	vst v7;
	s17 =	smov.u32 s16;
	s16 =	smov.u32 s18  }
0x9e: {  	s18 =	smov.u32 s20;
	v7 =	vld [tilespmem:s20+$0xFFFFFFD0];
	p0 =	slt.u32 s19, $0x3E00;
	v0 =	vmul.f32 $1.442695020e+00, v0;
	(erf) = vpow2.f32 v6;
	[tilespmem:s17+$0x30] =	vst v5;
	v5 =	vpop (erf)  }
0x9f: {  	v6 =	vld [tilespmem:s20+$0xFFFFFFE0];
	v1 =	vmul.f32 $1.442695020e+00, v1;
	(erf) = vpow2.f32 v2;
	[tilespmem:s17+$0xFFFFFFD0] =	vst v5;
	v5 =	vpop (erf)  }
.Ltmp6:
0xa0: {  	v2 =	vld [tilespmem:s20+$0xFFFFFFF0];
	v3 =	vmul.f32 $1.442695020e+00, v3;
	(erf) = vpow2.f32 v0;
	[tilespmem:s17+$0xFFFFFFE0] =	vst v5;
	v5 =	vpop (erf);
	(pc) =	sbr.rel @p0 .LBB2_6-.Ltmp6, $4  }
0xa1: {  	v0 =	vld [tilespmem:s20+$0x0];
	v4 =	vmul.f32 $1.442695020e+00, v4;
	(erf) = vpow2.f32 v1;
	[tilespmem:s17+$0xFFFFFFF0] =	vst v5;
	v5 =	vpop (erf)  }
0xa2: {  	v1 =	vld [tilespmem:s20+$0x10];
	v8 =	vmul.f32 $1.442695020e+00, v8;
	(erf) = vpow2.f32 v3;
	[tilespmem:s17+$0x0] =	vst v5;
	v9 =	vpop (erf)  }
0xa3: {  	v5 =	vmul.f32 $1.442695020e+00, v7;
	v3 =	vld [tilespmem:s20+$0x20];
	(erf) = vpow2.f32 v4;
	[tilespmem:s17+$0x10] =	vst v9;
	v7 =	vpop (erf)  }
0xa4: {  	s20 =	sadd.s32 $0x80, s20;
	v4 =	vld [tilespmem:s18+$0xFFFFFFC0];
	v6 =	vmul.f32 $1.442695020e+00, v6;
	(erf) = vpow2.f32 v8;
	[tilespmem:s17+$0x20] =	vst v7;
	v7 =	vpop (erf)  }
0xa5: {  	v2 =	vmul.f32 $1.442695020e+00, v2;
	(erf) = vpow2.f32 v5;
	v47 =	vpop (erf);
	[tilespmem:s17+$0xFFFFFFC0] =	vst v7  }
0xa6: {  	v0 =	vmul.f32 $1.442695020e+00, v0;
	(erf) = vpow2.f32 v6;
	[tilespmem:s16+$0x30] =	vst v47;
	v48 =	vpop (erf)  }
0xa7: {  	v1 =	vmul.f32 $1.442695020e+00, v1;
	(erf) = vpow2.f32 v2;
	[tilespmem:s16+$0xFFFFFFD0] =	vst v48;
	v49 =	vpop (erf)  }
0xa8: {  	v3 =	vmul.f32 $1.442695020e+00, v3;
	(erf) = vpow2.f32 v0;
	[tilespmem:s16+$0xFFFFFFE0] =	vst v49;
	v50 =	vpop (erf)  }
0xa9: {  	v51 =	vmul.f32 $1.442695020e+00, v4;
	(erf) = vpow2.f32 v1;
	[tilespmem:s16+$0xFFFFFFF0] =	vst v50;
	v52 =	vpop (erf)  }
0xaa: {  	(erf) = vpow2.f32 v3;
	[tilespmem:s16+$0x0] =	vst v52;
	v53 =	vpop (erf)  }
0xab: {  	(erf) = vpow2.f32 v51;
	[tilespmem:s16+$0x10] =	vst v53;
	v54 =	vpop (erf)  }
0xac: {  	[tilespmem:s16+$0x20] =	vst v54;
	v55 =	vpop (erf)  }
0xad: {  	v56 =	vpop (erf);
	[tilespmem:s16+$0xFFFFFFC0] =	vst v55  }
0xae: {  	[tilespmem:s18+$0x30] =	vst v56;
	v57 =	vpop (erf)  }
0xaf: {  	[tilespmem:s18+$0xFFFFFFD0] =	vst v57;
	v58 =	vpop (erf)  }
0xb0: {  	[tilespmem:s18+$0xFFFFFFE0] =	vst v58;
	v59 =	vpop (erf)  }
0xb1: {  	[tilespmem:s18+$0xFFFFFFF0] =	vst v59;
	v60 =	vpop (erf)  }
0xb2: {  	[tilespmem:s18+$0x0] =	vst v60;
	v61 =	vpop (erf)  }
0xb3: {  	[tilespmem:s18+$0x10] =	vst v61;
	v62 =	vpop (erf)  }
0xb4: {  	[tilespmem:s18+$0x20] =	vst v62;
	v63 =	vpop (erf)  }
.Ltmp7:
0xb5: {  	s15 =	sadd.s32 s4, s15;
	[tilespmem:s18+$0xFFFFFFC0] =	vst v63;
	(pc) =	sbr.rel .LBB2_8-.Ltmp7, $4  }
0xb6: {  	[hbm4b:s15+s6] =	stream.linear.scatter [tilespmem:s11], [sflag:$0x2], $0x3E80, $0x38;
	[tilespmem:$0x7D00] =	vst v63  }
0xb7: {  	_ =	swait.ge [sflag:s12], $0x3E80  }
0xb8: {  	[sflag:s12] =	ssyncset.done $0x0  }
0xb9: {  	[sflag:s12] =	ssyncadd.s32 $0xFFFFC180  }
.LBB2_10:
0xba: {  	_ =	sfence.sel $0x180000  }
0xbb: {  	[bflag:$0x0] =	sbarrier.arrive $0xFFFF  }
0xbc: {  	p0 =	sne.s32 s7, $0x0;
	_ =	strace $0x90000047  }
0xbd: {  	s0 =	sadd.s32 @!p0 $0x100000, s0;
	[bflag:$0x2] =	sbarrier.arrive $0xFFFF  }
0xbe: {  	[sflag:s0] =	ssyncadd.tile.s32 @!p0 $0x1;
	_ =	shalt  }
.Lfunc_end2:
_tile_overlayer_lowered:
.L_overlay_start_2:
0xbf: {  	(tag) =	ssettag $0x2  }
0xc0: {  	s0 =	rddreg [dreg:$0x0];
	s2 =	stileid.u32  }
0xc1: {  	s1 =	rddreg [dreg:$0x1];
	p0 =	sne.s32 s2, $0x0  }
0xc2: {  	s3 =	rddreg [dreg:$0x2];
	[bflag:$0x3] =	sbarrier.arrive $0xFFFF;
	s2 =	simm.s32 @!p0 $0x1C03  }
0xc3: {  	[timem:s3], [sflag:s2] =	dma.local @!p0 [hbm:s0], s1  }
0xc4: {  	s0 =	simm.s32 @!p0 $0x3  }
0xc5: {  	_ =	swait.ge @!p0 [sflag:s0], s1  }
0xc6: {  	s1 =	ssub.s32 @!p0 $0x0, s1;
	[sflag:s0] =	ssyncset.done @!p0 $0x0  }
0xc7: {  	[sflag:s0] =	ssyncadd.s32 @!p0 s1  }
0xc8: {  	[bflag:$0x3] =	sbarrier.arrive $0xFFFF  }
0xc9: {  	_ =	shalt  }

</sc_bundles>
